<compile_context>
chip_gen: v7x
topology: tpu7x:2x2x1
jax: 0.10.2.dev20260603
libtpu: 0.0.44.dev20260713+nightly
codegen_flags: <defaults>
</compile_context>

<pallas_src>
import functools
import math

import jax
import jax.numpy as jnp
from jax import lax
from jax.experimental import pallas as pl
from jax.experimental.pallas import tpu as pltpu
from jax.experimental.pallas import tpu_sc as plsc

_SCALE = 64.0
_MARGIN = 0.5
_COS_M = math.cos(_MARGIN)
_SIN_M = math.sin(_MARGIN)
_THETA = math.cos(math.pi - _MARGIN)
_SINMM = math.sin(math.pi - _MARGIN) * _MARGIN

_B = 4096
_C0 = 100
_C1 = 1000
_D = 512
_BS = 32
_NB = 232
_NPAD = _NB * _BS
_NW = 32
_BPW = _NPAD // _NW
_CH0, _CH1 = 120, 112
_EPS = 1e-12


def _routing(labels):
    labels = labels.astype(jnp.int32)
    group = labels // _C1
    local = labels % _C1
    oh = (group[:, None] == jnp.arange(_C0, dtype=jnp.int32)[None, :]).astype(jnp.int32)
    csum = jnp.cumsum(oh, axis=0)
    counts = csum[_B - 1]
    rank = jnp.take_along_axis(
        csum, group[:, None], axis=1, mode="promise_in_bounds")[:, 0] - 1
    bpg = (counts + _BS - 1) // _BS
    cum_bpg = jnp.cumsum(bpg)
    total_blocks = cum_bpg[_C0 - 1]
    block_start = cum_bpg - bpg
    bidx = jnp.arange(_NB, dtype=jnp.int32)
    block_gid = jnp.searchsorted(
        cum_bpg, jnp.minimum(bidx, total_blocks - 1), side="right"
    ).astype(jnp.int32)
    pos = block_start[group] * _BS + rank
    payload = jnp.stack([local, jnp.ones((_B,), jnp.int32)], axis=1)
    dest = jnp.zeros((_NPAD, 2), jnp.int32).at[pos].set(
        payload, unique_indices=True, mode="promise_in_bounds")
    rloc = dest[:, 0]
    valid = dest[:, 1] > 0
    return block_gid, pos, rloc, valid


def _sc_scatter(logits, pos):
    mesh = plsc.VectorSubcoreMesh(core_axis_name="c", subcore_axis_name="s")
    rows_w = _B // _NW

    @functools.partial(
        pl.kernel,
        out_type=jax.ShapeDtypeStruct((_NPAD, _D), jnp.float32),
        mesh=mesh,
        scratch_types=[
            pltpu.VMEM((rows_w,), jnp.int32),
            pltpu.VMEM((rows_w, _D), jnp.float32),
            pltpu.SemaphoreType.DMA,
        ],
    )
    def k(logits_hbm, pos_hbm, out_hbm, idx_v, rows_v, sem):
        wid = lax.axis_index("s") * 2 + lax.axis_index("c")
        base = wid * rows_w
        pltpu.sync_copy(pos_hbm.at[pl.ds(base, rows_w)], idx_v)
        pltpu.sync_copy(logits_hbm.at[pl.ds(base, rows_w)], rows_v)
        pltpu.async_copy(rows_v, out_hbm.at[idx_v], sem).wait()

    return k(logits, pos)


def _arc_step(gid_ref, xg_ref, w_ref, loc_ref, val_ref, out_ref, winv_ref):
    i = pl.program_id(0)
    g = gid_ref[i]
    prev = gid_ref[jnp.maximum(i - 1, 0)]
    w = w_ref[0]

    @pl.when((i == 0) | (g != prev))
    def _():
        ss = jnp.sum(w * w, axis=1, keepdims=True)
        winv_ref[...] = _SCALE / jnp.maximum(jnp.sqrt(ss), _EPS)

    x = xg_ref[...]
    xinv = 1.0 / jnp.maximum(
        jnp.sqrt(jnp.sum(x * x, axis=1, keepdims=True)), _EPS)
    xh = x * xinv
    dot = lax.dot_general(w, xh, (((1,), (1,)), ((), ())),
                          preferred_element_type=jnp.float32)
    s = dot * winv_ref[...]
    loc = loc_ref[0]
    val = val_ref[0]
    rows = lax.broadcasted_iota(jnp.int32, (_C1, _BS), 0)
    mask = rows == loc
    st = jnp.sum(jnp.where(mask, s, 0.0), axis=0, keepdims=True)
    t = st * (1.0 / _SCALE)
    sin_t = jnp.sqrt(jnp.clip(1.0 - t * t, 0.0, None))
    ctm = t * _COS_M - sin_t * _SIN_M
    ft64 = jnp.where(t > _THETA, ctm, t - _SINMM) * _SCALE
    s2 = jnp.where(mask, ft64, s)
    se = jnp.sum(jnp.exp(s2), axis=0, keepdims=True)
    part = jnp.sum(jnp.where(val > 0.0, jnp.log(se) - ft64, 0.0)) * (1.0 / _B)

    @pl.when(i == 0)
    def _():
        out_ref[...] = jnp.zeros((1, 1), jnp.float32)

    out_ref[...] = out_ref[...] + part


def _tc_grid_spec():
    return pltpu.PrefetchScalarGridSpec(
        num_scalar_prefetch=1,
        grid=(_NB,),
        in_specs=[
            pl.BlockSpec((_BS, _D), lambda i, gid: (i, 0)),
            pl.BlockSpec((1, _C1, _D), lambda i, gid: (gid[i], 0, 0)),
            pl.BlockSpec((1, 1, _BS), lambda i, gid: (i, 0, 0)),
            pl.BlockSpec((1, 1, _BS), lambda i, gid: (i, 0, 0)),
        ],
        out_specs=pl.BlockSpec((1, 1), lambda i, gid: (0, 0)),
        scratch_shapes=[pltpu.VMEM((_C1, 1), jnp.float32)],
    )


def kernel(logits, labels, weight):
    block_gid, pos, rloc, valid = _routing(labels)
    xg = _sc_scatter(logits, pos)
    loc3 = rloc.reshape(_NB, 1, _BS)
    val3 = valid.astype(jnp.float32).reshape(_NB, 1, _BS)
    out = pl.pallas_call(
        _arc_step,
        grid_spec=_tc_grid_spec(),
        out_shape=jax.ShapeDtypeStruct((1, 1), jnp.float32),
    )(block_gid, xg, weight, loc3, val3)
    return out[0, 0]

# --- scband reference (transcript-rebuilt; emitter-appended) ---
"""Pipeline reference for scband-arc-face-mhs-30408368455862 (READ-ONLY COPY).

The authoritative reference and input builder live on the scoring server;
editing this copy changes nothing except your own understanding.
"""

import jax, jax.numpy as jnp
import numpy as np
import math

SCALE = 64.0
MARGIN = 0.5
NUM_CLASSES = [100, 1000]
EMBED = 512
COS_M = math.cos(MARGIN)
SIN_M = math.sin(MARGIN)
THETA = math.cos(math.pi - MARGIN)
SINMM = math.sin(math.pi - MARGIN) * MARGIN


def setup_inputs(seed: int = 0) -> dict:
    key = jax.random.key(seed)
    k1, k2, k3 = jax.random.split(key, 3)
    logits = jax.random.normal(k1, (4096, EMBED), dtype=jnp.float32)
    labels = jax.random.randint(k2, (4096,), 0, NUM_CLASSES[0] * NUM_CLASSES[1], dtype=jnp.int32)
    weight = 0.01 * jax.random.normal(k3, (NUM_CLASSES[0], NUM_CLASSES[1], EMBED), dtype=jnp.float32)
    return {"logits": logits, "labels": labels, "weight": weight}


def reference(logits, labels, weight):
    B = labels.shape[0]
    C1 = NUM_CLASSES[1]
    # labal_coding: hierarchical label decomposition
    group = labels // C1            # m_labels[:, 0]
    local = labels % C1             # m_labels[:, 1]
    # _get_group_logits: per-sample normalized weight block @ normalized embedding
    eps = 1e-12
    norm_logits = logits / jnp.maximum(jnp.linalg.norm(logits, axis=1, keepdims=True), eps)
    Wg = jnp.take(weight, group, axis=0)                      # [B, C1, EMBED] gather
    Wg = Wg / jnp.maximum(jnp.linalg.norm(Wg, axis=2, keepdims=True), eps)
    cos = jnp.einsum('bcd,bd->bc', Wg, norm_logits)           # [B, C1]
    # arcface margin on target logit (labels are all != -1 here, so index covers all rows)
    rows = jnp.arange(B)
    target_logit = cos[rows, local]
    sin_theta = jnp.sqrt(jnp.clip(1.0 - target_logit ** 2, 0.0, None))
    cos_theta_m = target_logit * COS_M - sin_theta * SIN_M
    # easy_margin = False branch
    final_target = jnp.where(target_logit > THETA, cos_theta_m, target_logit - SINMM)
    cos = cos.at[rows, local].set(final_target)
    scaled = cos * SCALE
    # CrossEntropyLoss (mean reduction) against local label
    logp = jax.nn.log_softmax(scaled, axis=1)
    loss = -jnp.mean(logp[rows, local])
    return loss

if __name__ == "__main__":
    import jax
    _d = setup_inputs()
    print(jax.jit(kernel)(*tuple(_d.values())))

</pallas_src>

<mosaic_0001>
#map = affine_map<(d0, d1) -> (0, 0)>
#map1 = affine_map<(d0, d1) -> (0)>
module attributes {stable_mosaic.version = 14 : i64} {
  func.func @k(%arg0: i32, %arg1: i32, %arg2: memref<4096x512xf32, #tpu.memory_space<hbm>>, %arg3: memref<4096xi32, #tpu.memory_space<hbm>>, %arg4: memref<7424x512xf32, #tpu.memory_space<hbm>>, %arg5: memref<128xi32, #tpu.memory_space<vmem>>, %arg6: memref<128x512xf32, #tpu.memory_space<vmem>>, %arg7: memref<!tpu.dma_semaphore, #tpu.memory_space<semaphore_mem>>) attributes {dimension_semantics = [#tpu.dimension_semantics<core_parallel>, #tpu.dimension_semantics<subcore_parallel>], iteration_bounds = array<i64: 2, 16>, scalar_prefetch = 0 : i64, scratch_operands = 3 : i64, tpu.core_type = #tpu.core_type<sc_vector_subcore>, window_params = [{transform_indices = #map}, {transform_indices = #map1}, {transform_indices = #map}]} {
    %mul3A = arith.constant 2 : i32
    %mul3A_0 = arith.muli %arg1, %mul3A : i32
    %add3A = arith.addi %mul3A_0, %arg0 : i32
    %mul3A_1 = arith.constant 128 : i32
    %mul3A_2 = arith.muli %add3A, %mul3A_1 : i32
    "tpu.region"() ({
      %run_scoped3A = tpu.sem_alloc : memref<!tpu.dma_semaphore, #tpu.memory_space<semaphore_mem>>
      %dma_start3A_7 = tpu.memref_slice %arg3[%mul3A_2] : memref<4096xi32, #tpu.memory_space<hbm>> -> memref<128xi32, #tpu.memory_space<hbm>>
      %dma_start3A_8 = tpu.memref_slice %arg3[%mul3A_2] : memref<4096xi32, #tpu.memory_space<hbm>> -> memref<128xi32, #tpu.memory_space<hbm>>
      tpu.enqueue_dma source(%dma_start3A_8 : memref<128xi32, #tpu.memory_space<hbm>>) target(%arg5 : memref<128xi32, #tpu.memory_space<vmem>>) target_semaphore(%run_scoped3A : memref<!tpu.dma_semaphore, #tpu.memory_space<semaphore_mem>>)
      %dma_wait3A_9 = tpu.memref_slice %arg3[%mul3A_2] : memref<4096xi32, #tpu.memory_space<hbm>> -> memref<128xi32, #tpu.memory_space<hbm>>
      %dma_wait3A_10 = tpu.memref_slice %arg3[%mul3A_2] : memref<4096xi32, #tpu.memory_space<hbm>> -> memref<128xi32, #tpu.memory_space<hbm>>
      tpu.wait_dma2 semaphore(%run_scoped3A : memref<!tpu.dma_semaphore, #tpu.memory_space<semaphore_mem>>) src(%dma_wait3A_10 : memref<128xi32, #tpu.memory_space<hbm>>) dst(%arg5 : memref<128xi32, #tpu.memory_space<vmem>>)
      tpu.yield
    }) : () -> ()
    "tpu.region"() ({
      %run_scoped3A = tpu.sem_alloc : memref<!tpu.dma_semaphore, #tpu.memory_space<semaphore_mem>>
      %dma_start3A_7 = arith.constant 0 : i32
      %dma_start3A_8 = tpu.memref_slice %arg2[%mul3A_2, %dma_start3A_7] : memref<4096x512xf32, #tpu.memory_space<hbm>> -> memref<128x512xf32, #tpu.memory_space<hbm>>
      %dma_start3A_9 = arith.constant 0 : i32
      %dma_start3A_10 = tpu.memref_slice %arg2[%mul3A_2, %dma_start3A_9] : memref<4096x512xf32, #tpu.memory_space<hbm>> -> memref<128x512xf32, #tpu.memory_space<hbm>>
      tpu.enqueue_dma source(%dma_start3A_10 : memref<128x512xf32, #tpu.memory_space<hbm>>) target(%arg6 : memref<128x512xf32, #tpu.memory_space<vmem>>) target_semaphore(%run_scoped3A : memref<!tpu.dma_semaphore, #tpu.memory_space<semaphore_mem>>)
      %dma_wait3A_11 = arith.constant 0 : i32
      %dma_wait3A_12 = tpu.memref_slice %arg2[%mul3A_2, %dma_wait3A_11] : memref<4096x512xf32, #tpu.memory_space<hbm>> -> memref<128x512xf32, #tpu.memory_space<hbm>>
      %dma_wait3A_13 = arith.constant 0 : i32
      %dma_wait3A_14 = tpu.memref_slice %arg2[%mul3A_2, %dma_wait3A_13] : memref<4096x512xf32, #tpu.memory_space<hbm>> -> memref<128x512xf32, #tpu.memory_space<hbm>>
      tpu.wait_dma2 semaphore(%run_scoped3A : memref<!tpu.dma_semaphore, #tpu.memory_space<semaphore_mem>>) src(%dma_wait3A_14 : memref<128x512xf32, #tpu.memory_space<hbm>>) dst(%arg6 : memref<128x512xf32, #tpu.memory_space<vmem>>)
      tpu.yield
    }) : () -> ()
    %dma_start3A = arith.constant 0 : i32
    %dma_start3A_3 = arith.constant 0 : i32
    %dma_start3A_4 = tpu.memref_slice %arg4[%dma_start3A, %dma_start3A_3] : memref<7424x512xf32, #tpu.memory_space<hbm>> -> memref<7424x512xf32, #tpu.memory_space<hbm>>
    tpu.enqueue_indirect_dma source(%arg6 : memref<128x512xf32, #tpu.memory_space<vmem>>) target(%dma_start3A_4 : memref<7424x512xf32, #tpu.memory_space<hbm>>) offsets(%arg5 : memref<128xi32, #tpu.memory_space<vmem>>) semaphore(%arg7 : memref<!tpu.dma_semaphore, #tpu.memory_space<semaphore_mem>>)
    %dma_wait3A = arith.constant 0 : i32
    %dma_wait3A_5 = arith.constant 0 : i32
    %dma_wait3A_6 = tpu.memref_slice %arg4[%dma_wait3A, %dma_wait3A_5] : memref<7424x512xf32, #tpu.memory_space<hbm>> -> memref<7424x512xf32, #tpu.memory_space<hbm>>
    tpu.wait_indirect_dma semaphore(%arg7 : memref<!tpu.dma_semaphore, #tpu.memory_space<semaphore_mem>>) src(%arg6 : memref<128x512xf32, #tpu.memory_space<vmem>>) dst(%dma_wait3A_6 : memref<7424x512xf32, #tpu.memory_space<hbm>>)
    return
  }
}

module attributes {stable_mosaic.version = 14 : i64} {
  func.func @_arc_step(%arg0: i32, %arg1: memref<232xi32, #tpu.memory_space<smem>>, %arg2: memref<32x512xf32, #tpu.memory_space<vmem>>, %arg3: memref<1x1000x512xf32, #tpu.memory_space<vmem>>, %arg4: memref<1x1x32xi32, #tpu.memory_space<vmem>>, %arg5: memref<1x1x32xf32, #tpu.memory_space<vmem>>, %arg6: memref<1x1xf32, #tpu.memory_space<vmem>>, %arg7: memref<1000x1xf32, #tpu.memory_space<vmem>>) attributes {dimension_semantics = [#tpu.dimension_semantics<arbitrary>], iteration_bounds = array<i64: 232>, scalar_prefetch = 1 : i64, scratch_operands = 1 : i64, tpu.core_type = #tpu.core_type<tc>, window_params = [{transform_indices = @transform_0, window_bounds = array<i64: 32, 512>}, {transform_indices = @transform_1, window_bounds = array<i64: 1, 1000, 512>}, {transform_indices = @transform_2, window_bounds = array<i64: 1, 1, 32>}, {transform_indices = @transform_3, window_bounds = array<i64: 1, 1, 32>}, {pipeline_mode = #tpu.pipeline_mode<synchronous>, transform_indices = @transform_4, window_bounds = array<i64: 1, 1>}]} {
    %get3A = arith.index_cast %arg0 : i32 to index
    %get3A_0 = memref.load %arg1[%get3A] : memref<232xi32, #tpu.memory_space<smem>>
    %sub3A = arith.constant 1 : i32
    %sub3A_1 = arith.subi %arg0, %sub3A : i32
    %max3A = arith.constant 0 : i32
    %max3A_2 = arith.maxsi %sub3A_1, %max3A : i32
    %get3A_3 = arith.index_cast %max3A_2 : i32 to index
    %get3A_4 = memref.load %arg1[%get3A_3] : memref<232xi32, #tpu.memory_space<smem>>
    %get3A_5 = arith.constant 0 : index
    %get3A_6 = arith.constant 0 : index
    %get3A_7 = arith.constant 0 : index
    %get3A_8 = vector.load %arg3[%get3A_5, %get3A_6, %get3A_7] : memref<1x1000x512xf32, #tpu.memory_space<vmem>>, vector<1x1000x512xf32>
    %get3A_9 = vector.shape_cast %get3A_8 : vector<1x1000x512xf32> to vector<1000x512xf32>
    %eq3A = arith.constant 0 : i32
    %eq3A_10 = arith.cmpi eq, %arg0, %eq3A : i32
    %ne3A = arith.cmpi ne, %get3A_0, %get3A_4 : i32
    %or3A = arith.ori %eq3A_10, %ne3A : i1
    %convert_element_type3A = arith.extui %or3A : i1 to i32
    %cond3A = arith.constant 0 : i32
    %cond3A_11 = arith.cmpi ne, %convert_element_type3A, %cond3A : i32
    scf.if %cond3A_11 {
      %mul3A_103 = arith.mulf %get3A_9, %get3A_9 : vector<1000x512xf32>
      %reduce_sum3A_104 = arith.constant dense<0.000000e+00> : vector<1000xf32>
      %reduce_sum3A_105 = vector.multi_reduction <add>, %mul3A_103, %reduce_sum3A_104 [1] : vector<1000x512xf32> to vector<1000xf32>
      %broadcast_in_dim3A_106 = vector.shape_cast %reduce_sum3A_105 : vector<1000xf32> to vector<1000x1xf32>
      %sqrt3A_107 = math.sqrt %broadcast_in_dim3A_106 : vector<1000x1xf32>
      %max3A_108 = arith.constant 9.99999996E-13 : f32
      %max3A_109 = vector.broadcast %max3A_108 : f32 to vector<1000x1xf32>
      %max3A_110 = arith.maximumf %sqrt3A_107, %max3A_109 : vector<1000x1xf32>
      %div3A_111 = arith.constant 6.400000e+01 : f32
      %div3A_112 = vector.broadcast %div3A_111 : f32 to vector<1000x1xf32>
      %div3A_113 = arith.divf %div3A_112, %max3A_110 : vector<1000x1xf32>
      %swap3A_114 = arith.constant 0 : index
      %swap3A_115 = arith.constant 0 : index
      %swap3A_116 = vector.load %arg7[%swap3A_114, %swap3A_115] : memref<1000x1xf32, #tpu.memory_space<vmem>>, vector<1000x1xf32>
      tpu.vector_store %arg7[%swap3A_114, %swap3A_115], %div3A_113 {strides = array<i32>} : memref<1000x1xf32, #tpu.memory_space<vmem>>, vector<1000x1xf32>,
    } else {
    }
    %get3A_12 = arith.constant 0 : index
    %get3A_13 = arith.constant 0 : index
    %get3A_14 = vector.load %arg2[%get3A_12, %get3A_13] : memref<32x512xf32, #tpu.memory_space<vmem>>, vector<32x512xf32>
    %mul3A = arith.mulf %get3A_14, %get3A_14 : vector<32x512xf32>
    %reduce_sum3A = arith.constant dense<0.000000e+00> : vector<32xf32>
    %reduce_sum3A_15 = vector.multi_reduction <add>, %mul3A, %reduce_sum3A [1] : vector<32x512xf32> to vector<32xf32>
    %broadcast_in_dim3A = vector.shape_cast %reduce_sum3A_15 : vector<32xf32> to vector<32x1xf32>
    %sqrt3A = math.sqrt %broadcast_in_dim3A : vector<32x1xf32>
    %max3A_16 = arith.constant 9.99999996E-13 : f32
    %max3A_17 = vector.broadcast %max3A_16 : f32 to vector<32x1xf32>
    %max3A_18 = arith.maximumf %sqrt3A, %max3A_17 : vector<32x1xf32>
    %div3A = arith.constant 1.000000e+00 : f32
    %div3A_19 = vector.broadcast %div3A : f32 to vector<32x1xf32>
    %div3A_20 = arith.divf %div3A_19, %max3A_18 : vector<32x1xf32>
    %mul3A_21 = vector.broadcast %div3A_20 : vector<32x1xf32> to vector<32x512xf32>
    %mul3A_22 = arith.mulf %get3A_14, %mul3A_21 : vector<32x512xf32>
    %dot_general3A = arith.constant dense<0.000000e+00> : vector<1000x32xf32>
    %dot_general3A_23 = tpu.matmul %get3A_9, %mul3A_22, %dot_general3A {dimension_numbers = #tpu.dot_dimension_numbers<[1], [1], [0], [0], [0, 0, 1, 0], [], []>, transpose_lhs_hint = false} : vector<1000x512xf32>, vector<32x512xf32>, vector<1000x32xf32> -> vector<1000x32xf32>
    %get3A_24 = arith.constant 0 : index
    %get3A_25 = arith.constant 0 : index
    %get3A_26 = vector.load %arg7[%get3A_24, %get3A_25] : memref<1000x1xf32, #tpu.memory_space<vmem>>, vector<1000x1xf32>
    %mul3A_27 = vector.broadcast %get3A_26 : vector<1000x1xf32> to vector<1000x32xf32>
    %mul3A_28 = arith.mulf %dot_general3A_23, %mul3A_27 : vector<1000x32xf32>
    %get3A_29 = arith.constant 0 : index
    %get3A_30 = arith.constant 0 : index
    %get3A_31 = arith.constant 0 : index
    %get3A_32 = vector.load %arg4[%get3A_29, %get3A_30, %get3A_31] : memref<1x1x32xi32, #tpu.memory_space<vmem>>, vector<1x1x32xi32>
    %get3A_33 = vector.shape_cast %get3A_32 : vector<1x1x32xi32> to vector<1x32xi32>
    %get3A_34 = arith.constant 0 : index
    %get3A_35 = arith.constant 0 : index
    %get3A_36 = arith.constant 0 : index
    %get3A_37 = vector.load %arg5[%get3A_34, %get3A_35, %get3A_36] : memref<1x1x32xf32, #tpu.memory_space<vmem>>, vector<1x1x32xf32>
    %get3A_38 = vector.shape_cast %get3A_37 : vector<1x1x32xf32> to vector<1x32xf32>
    %iota3A = tpu.iota {dimensions = array<i32: 0>} : vector<1000x32xi32>
    %eq3A_39 = vector.broadcast %get3A_33 : vector<1x32xi32> to vector<1000x32xi32>
    %eq3A_40 = arith.cmpi eq, %iota3A, %eq3A_39 : vector<1000x32xi32>
    %jit3A = arith.constant 0.000000e+00 : f32
    %broadcast_in_dim3A_41 = vector.broadcast %jit3A : f32 to vector<1000x32xf32>
    %select_n3A = arith.select %eq3A_40, %mul3A_28, %broadcast_in_dim3A_41 : vector<1000x32xi1>, vector<1000x32xf32>
    %reduce_sum3A_42 = arith.constant dense<0.000000e+00> : vector<32xf32>
    %reduce_sum3A_43 = vector.multi_reduction <add>, %select_n3A, %reduce_sum3A_42 [0] : vector<1000x32xf32> to vector<32xf32>
    %broadcast_in_dim3A_44 = vector.shape_cast %reduce_sum3A_43 : vector<32xf32> to vector<1x32xf32>
    %mul3A_45 = arith.constant 1.562500e-02 : f32
    %mul3A_46 = vector.broadcast %mul3A_45 : f32 to vector<1x32xf32>
    %mul3A_47 = arith.mulf %broadcast_in_dim3A_44, %mul3A_46 : vector<1x32xf32>
    %mul3A_48 = arith.mulf %mul3A_47, %mul3A_47 : vector<1x32xf32>
    %sub3A_49 = arith.constant 1.000000e+00 : f32
    %sub3A_50 = vector.broadcast %sub3A_49 : f32 to vector<1x32xf32>
    %sub3A_51 = arith.subf %sub3A_50, %mul3A_48 : vector<1x32xf32>
    %jit3A_52 = arith.constant 0.000000e+00 : f32
    %max3A_53 = vector.broadcast %jit3A_52 : f32 to vector<1x32xf32>
    %max3A_54 = arith.maximumf %max3A_53, %sub3A_51 : vector<1x32xf32>
    %sqrt3A_55 = math.sqrt %max3A_54 : vector<1x32xf32>
    %mul3A_56 = arith.constant 0.87758255 : f32
    %mul3A_57 = vector.broadcast %mul3A_56 : f32 to vector<1x32xf32>
    %mul3A_58 = arith.mulf %mul3A_47, %mul3A_57 : vector<1x32xf32>
    %mul3A_59 = arith.constant 0.47942555 : f32
    %mul3A_60 = vector.broadcast %mul3A_59 : f32 to vector<1x32xf32>
    %mul3A_61 = arith.mulf %sqrt3A_55, %mul3A_60 : vector<1x32xf32>
    %sub3A_62 = arith.subf %mul3A_58, %mul3A_61 : vector<1x32xf32>
    %gt3A = arith.constant -0.87758255 : f32
    %gt3A_63 = vector.broadcast %gt3A : f32 to vector<1x32xf32>
    %gt3A_64 = arith.cmpf ogt, %mul3A_47, %gt3A_63 : vector<1x32xf32>
    %sub3A_65 = arith.constant 0.239712775 : f32
    %sub3A_66 = vector.broadcast %sub3A_65 : f32 to vector<1x32xf32>
    %sub3A_67 = arith.subf %mul3A_47, %sub3A_66 : vector<1x32xf32>
    %select_n3A_68 = arith.select %gt3A_64, %sub3A_62, %sub3A_67 : vector<1x32xi1>, vector<1x32xf32>
    %mul3A_69 = arith.constant 6.400000e+01 : f32
    %mul3A_70 = vector.broadcast %mul3A_69 : f32 to vector<1x32xf32>
    %mul3A_71 = arith.mulf %select_n3A_68, %mul3A_70 : vector<1x32xf32>
    %broadcast_in_dim3A_72 = vector.shape_cast %mul3A_71 : vector<1x32xf32> to vector<1x32xf32>
    %broadcast_in_dim3A_73 = vector.broadcast %broadcast_in_dim3A_72 : vector<1x32xf32> to vector<1000x32xf32>
    %select_n3A_74 = arith.select %eq3A_40, %broadcast_in_dim3A_73, %mul3A_28 : vector<1000x32xi1>, vector<1000x32xf32>
    %exp3A = math.exp %select_n3A_74 : vector<1000x32xf32>
    %reduce_sum3A_75 = arith.constant dense<0.000000e+00> : vector<32xf32>
    %reduce_sum3A_76 = vector.multi_reduction <add>, %exp3A, %reduce_sum3A_75 [0] : vector<1000x32xf32> to vector<32xf32>
    %broadcast_in_dim3A_77 = vector.shape_cast %reduce_sum3A_76 : vector<32xf32> to vector<1x32xf32>
    %gt3A_78 = arith.constant 0.000000e+00 : f32
    %gt3A_79 = vector.broadcast %gt3A_78 : f32 to vector<1x32xf32>
    %gt3A_80 = arith.cmpf ogt, %get3A_38, %gt3A_79 : vector<1x32xf32>
    %log3A = math.log %broadcast_in_dim3A_77 : vector<1x32xf32>
    %sub3A_81 = arith.subf %log3A, %mul3A_71 : vector<1x32xf32>
    %jit3A_82 = arith.constant 0.000000e+00 : f32
    %broadcast_in_dim3A_83 = vector.broadcast %jit3A_82 : f32 to vector<1x32xf32>
    %select_n3A_84 = arith.select %gt3A_80, %sub3A_81, %broadcast_in_dim3A_83 : vector<1x32xi1>, vector<1x32xf32>
    %reduce_sum3A_85 = vector.shape_cast %select_n3A_84 : vector<1x32xf32> to vector<1x1x32xf32>
    %reduce_sum3A_86 = arith.constant dense<0.000000e+00> : vector<1xf32>
    %reduce_sum3A_87 = vector.multi_reduction <add>, %reduce_sum3A_85, %reduce_sum3A_86 [1, 2] : vector<1x1x32xf32> to vector<1xf32>
    %reduce_sum3A_88 = vector.shape_cast %reduce_sum3A_87 : vector<1xf32> to vector<1x1x1xf32>
    %reduce_sum3A_89 = vector.extract %reduce_sum3A_88[0, 0, 0] : f32 from vector<1x1x1xf32>
    %mul3A_90 = arith.constant 2.44140625E-4 : f32
    %mul3A_91 = arith.mulf %reduce_sum3A_89, %mul3A_90 : f32
    %eq3A_92 = arith.constant 0 : i32
    %eq3A_93 = arith.cmpi eq, %arg0, %eq3A_92 : i32
    %convert_element_type3A_94 = arith.extui %eq3A_93 : i1 to i32
    %cond3A_95 = arith.constant 0 : i32
    %cond3A_96 = arith.cmpi ne, %convert_element_type3A_94, %cond3A_95 : i32
    scf.if %cond3A_96 {
      %broadcast_in_dim3A_103 = arith.constant 0.000000e+00 : f32
      %broadcast_in_dim3A_104 = vector.broadcast %broadcast_in_dim3A_103 : f32 to vector<1x1xf32>
      %swap3A_105 = arith.constant 0 : index
      %swap3A_106 = arith.constant 0 : index
      %swap3A_107 = vector.load %arg6[%swap3A_105, %swap3A_106] : memref<1x1xf32, #tpu.memory_space<vmem>>, vector<1x1xf32>
      tpu.vector_store %arg6[%swap3A_105, %swap3A_106], %broadcast_in_dim3A_104 {strides = array<i32>} : memref<1x1xf32, #tpu.memory_space<vmem>>, vector<1x1xf32>,
    } else {
    }
    %get3A_97 = arith.constant 0 : index
    %get3A_98 = arith.constant 0 : index
    %get3A_99 = vector.load %arg6[%get3A_97, %get3A_98] : memref<1x1xf32, #tpu.memory_space<vmem>>, vector<1x1xf32>
    %add3A = vector.broadcast %mul3A_91 : f32 to vector<1x1xf32>
    %add3A_100 = arith.addf %get3A_99, %add3A : vector<1x1xf32>
    %swap3A = arith.constant 0 : index
    %swap3A_101 = arith.constant 0 : index
    %swap3A_102 = vector.load %arg6[%swap3A, %swap3A_101] : memref<1x1xf32, #tpu.memory_space<vmem>>, vector<1x1xf32>
    tpu.vector_store %arg6[%swap3A, %swap3A_101], %add3A_100 {strides = array<i32>} : memref<1x1xf32, #tpu.memory_space<vmem>>, vector<1x1xf32>,
    return
  }
  func.func @transform_0(%arg0: i32, %arg1: memref<232xi32, #tpu.memory_space<smem>>) -> (i32, i32) {
    %c0_i32 = arith.constant 0 : i32
    %c0_i32_0 = arith.constant 0 : i32
    return %arg0, %c0_i32 : i32, i32
  }
  func.func @transform_1(%arg0: i32, %arg1: memref<232xi32, #tpu.memory_space<smem>>) -> (i32, i32, i32) {
    %get3A = arith.index_cast %arg0 : i32 to index
    %get3A_0 = memref.load %arg1[%get3A] : memref<232xi32, #tpu.memory_space<smem>>
    %c0_i32 = arith.constant 0 : i32
    %c0_i32_1 = arith.constant 0 : i32
    %c0_i32_2 = arith.constant 0 : i32
    return %get3A_0, %c0_i32, %c0_i32_1 : i32, i32, i32
  }
  func.func @transform_2(%arg0: i32, %arg1: memref<232xi32, #tpu.memory_space<smem>>) -> (i32, i32, i32) {
    %c0_i32 = arith.constant 0 : i32
    %c0_i32_0 = arith.constant 0 : i32
    %c0_i32_1 = arith.constant 0 : i32
    return %arg0, %c0_i32, %c0_i32_0 : i32, i32, i32
  }
  func.func @transform_3(%arg0: i32, %arg1: memref<232xi32, #tpu.memory_space<smem>>) -> (i32, i32, i32) {
    %c0_i32 = arith.constant 0 : i32
    %c0_i32_0 = arith.constant 0 : i32
    %c0_i32_1 = arith.constant 0 : i32
    return %arg0, %c0_i32, %c0_i32_0 : i32, i32, i32
  }
  func.func @transform_4(%arg0: i32, %arg1: memref<232xi32, #tpu.memory_space<smem>>) -> (i32, i32) {
    %c0_i32 = arith.constant 0 : i32
    %c0_i32_0 = arith.constant 0 : i32
    %c0_i32_1 = arith.constant 0 : i32
    return %c0_i32, %c0_i32_0 : i32, i32
  }
}

</mosaic_0001>

<sc_bundles>
// kernel: gather_offload_async_start
scs
__scs_entry_jumppad:
0x0: {  	(pc) =	sbr.rel $0x88, $3  }
0x1: {  	(tag) =	ssettag $0x0;
	lr =	simm.s32 $0x1  }
0x2: {  	[smem:$0x3F9E] =	sst lr;
	_ =	strace $0xD0000000  }
0x3: {  	_ = 	snop  }
0x4: {  	_ = 	snop  }
0x5: {  	_ = 	snop  }
0x6: {  	_ = 	snop  }
0x7: {  	_ = 	snop  }
__scs_overlays_trampoline_lowered:
0x8: {  	[smem:$0x3FAD] =	sst s0  }
0x9: {  	[smem:$0x3FAE] =	sst s1  }
0xa: {  	[smem:$0x3FAF] =	sst s2  }
0xb: {  	[smem:$0x3FB0] =	sst s3  }
0xc: {  	[smem:$0x3FB1] =	sst s4  }
0xd: {  	[smem:$0x3FB2] =	sst s5  }
0xe: {  	[smem:$0x3FB3] =	sst s6  }
0xf: {  	[smem:$0x3FB4] =	sst s7  }
0x10: {  	[smem:$0x3FB5] =	sst s8  }
0x11: {  	[smem:$0x3FB6] =	sst s9;
	s0 =	simm.s32 @!p0 $0x0  }
0x12: {  	s1 =	sld [smem:$0x3F9C];
	s0 =	simm.s32 @p0 $0x1  }
0x13: {  	[smem:$0x3FB7] =	sst s0;
	s0 =	simm.s32 @!p1 $0x0  }
0x14: {  	s2 =	sld [smem:$0x3F9B];
	s0 =	simm.s32 @p1 $0x1  }
0x15: {  	[smem:$0x3FB8] =	sst s0;
	s0 =	simm.s32 @!p2 $0x0  }
0x16: {  	s3 =	sld [smem:$0x3FDB];
	s0 =	simm.s32 @p2 $0x1  }
0x17: {  	s4 =	simm.s32 $0x1BF5;
	[smem:$0x3FBA] =	sst s0  }
0x18: {  	s0 =	sld [smem:$0x3F9D];
	_ =	swait.ge [sflag:s4], $0x0  }
0x19: {  	s7 =	sld [smem:$0x3F9E]  }
0x1a: {  	s8 =	sadd.s32 $0xFFFFE003, lr  }
0x1b: {  	s9 =	sadd.s32 $0xFFFFFEF7, lr;
	s5 =	simm.s32 $0xFFFFFFFF;
	p2 =	slt.u32 s8, $0xFFFFF086  }
0x1c: {  	p1 =	slt.u32 s9, $0xF7A;
	s5 =	simm.s32 @!p2 $0x0  }
0x1d: {  	s5 =	simm.s32 @p1 $0x1;
	p0 =	seq.s32 s7, s2  }
0x1e: {  	s7 =	smul.u32 @!p0 $0xF7A, s2;
	p2 =	seq.s32 @!p0 s5, $0x0  }
0x1f: {  	s9 =	smul.u32 $0xF7A, s1;
	s8 =	simm.s32 @!p0 $0x1BF5;
	p2 =	por !p2, p0  }
0x20: {  	[sflag:s8] =	ssyncset.s32 @!p0 $0xFFFFF086;
	s6 =	sadd.s32 @!p0 s3, s7;
	s7 =	simm.s32 @!p0 $0x108  }
0x21: {  	s3 =	sadd.s32 s3, s9;
	s6 =	sadd.s32 @!p0 $0x88, s6;
	s7 =	simm.s32 @p2 $0x1082  }
0x22: {  	[simem:s7], [sflag:s8] =	dma.local @!p0 [hbm:s6], $0xF7A  }
0x23: {  	s9 =	sor.u32 $0xD0000000, s2;
	s6 =	simm.s32 $0x108;
	_ =	swait.ge @!p0 [sflag:s8], $0x0  }
0x24: {  	s3 =	sadd.s32 $0x88, s3;
	s6 =	simm.s32 @!p1 $0x1082;
	[sflag:s4] =	ssyncset.s32 $0xFFFFF086  }
0x25: {  	[simem:s6], [sflag:s4] =	dma.local [hbm:s3], $0xF7A  }
0x26: {  	[smem:$0x3F9E] =	sst s1;
	(tag) =	ssettag s2;
	_ =	strace s9  }
0x27: {  	s1 =	sld [smem:$0x3FAE]  }
0x28: {  	s2 =	sld [smem:$0x3FAF]  }
0x29: {  	s4 =	sld [smem:$0x3FB1]  }
0x2a: {  	p0 =	seq.s32 s5, $0x0;
	s5 =	sld [smem:$0x3FB2]  }
0x2b: {  	s6 =	sld [smem:$0x3FB3]  }
0x2c: {  	s7 =	sld [smem:$0x3FB4]  }
0x2d: {  	s3 =	simm.s32 $0x108;
	s8 =	sld [smem:$0x3FB5]  }
0x2e: {  	s3 =	simm.s32 @!p0 $0x1082;
	s9 =	sld [smem:$0x3FB6]  }
0x2f: {  	lr =	sadd.s32 s0, s3;
	s0 =	sld [smem:$0x3FAD]  }
0x30: {  	s3 =	sld [smem:$0x3FB0]  }
0x31: {  	[smem:$0x3FB9] =	sst s10  }
0x32: {  	s10 =	sld [smem:$0x3FB7];
	_ =	sdelay $0x3  }
0x33: {  	p0 =	seq.s32 s10, $0x1;
	s10 =	sld [smem:$0x3FB9];
	_ =	sdelay $0x3  }
0x34: {  	[smem:$0x3FB9] =	sst s10  }
0x35: {  	s10 =	sld [smem:$0x3FB8];
	_ =	sdelay $0x3  }
0x36: {  	p1 =	seq.s32 s10, $0x1;
	s10 =	sld [smem:$0x3FB9];
	_ =	sdelay $0x3  }
0x37: {  	[smem:$0x3FB9] =	sst s10  }
0x38: {  	s10 =	sld [smem:$0x3FBA]  }
0x39: {  	_ = 	snop;
	(pc) =	sbr.ind lr, $3  }
0x3a: {  	_ = 	snop  }
0x3b: {  	_ = 	snop  }
0x3c: {  	p2 =	seq.s32 s10, $0x1;
	s10 =	sld [smem:$0x3FB9]  }
0x3d: {  	_ =	shalt  }
0x3e: {  	_ =	shalt  }
0x3f: {  	_ =	shalt  }
0x40: {  	_ =	shalt  }
0x41: {  	_ =	shalt  }
0x42: {  	_ =	shalt  }
0x43: {  	_ =	shalt  }
0x44: {  	_ =	shalt  }
0x45: {  	_ =	shalt  }
0x46: {  	_ =	shalt  }
0x47: {  	_ =	shalt  }
0x48: {  	_ =	shalt  }
0x49: {  	_ =	shalt  }
0x4a: {  	_ =	shalt  }
0x4b: {  	_ =	shalt  }
0x4c: {  	_ =	shalt  }
0x4d: {  	_ =	shalt  }
0x4e: {  	_ =	shalt  }
0x4f: {  	_ =	shalt  }
0x50: {  	_ =	shalt  }
0x51: {  	_ =	shalt  }
0x52: {  	_ =	shalt  }
0x53: {  	_ =	shalt  }
0x54: {  	_ =	shalt  }
0x55: {  	_ =	shalt  }
0x56: {  	_ =	shalt  }
0x57: {  	_ =	shalt  }
0x58: {  	_ =	shalt  }
0x59: {  	_ =	shalt  }
0x5a: {  	_ =	shalt  }
0x5b: {  	_ =	shalt  }
0x5c: {  	_ =	shalt  }
0x5d: {  	_ =	shalt  }
0x5e: {  	_ =	shalt  }
0x5f: {  	_ =	shalt  }
0x60: {  	_ =	shalt  }
0x61: {  	_ =	shalt  }
0x62: {  	_ =	shalt  }
0x63: {  	_ =	shalt  }
0x64: {  	_ =	shalt  }
0x65: {  	_ =	shalt  }
0x66: {  	_ =	shalt  }
0x67: {  	_ =	shalt  }
0x68: {  	_ =	shalt  }
0x69: {  	_ =	shalt  }
0x6a: {  	_ =	shalt  }
0x6b: {  	_ =	shalt  }
0x6c: {  	_ =	shalt  }
0x6d: {  	_ =	shalt  }
0x6e: {  	_ =	shalt  }
0x6f: {  	_ =	shalt  }
0x70: {  	_ =	shalt  }
0x71: {  	_ =	shalt  }
0x72: {  	_ =	shalt  }
0x73: {  	_ =	shalt  }
0x74: {  	_ =	shalt  }
0x75: {  	_ =	shalt  }
0x76: {  	_ =	shalt  }
0x77: {  	_ =	shalt  }
0x78: {  	_ =	shalt  }
0x79: {  	_ =	shalt  }
0x7a: {  	_ =	shalt  }
0x7b: {  	_ =	shalt  }
0x7c: {  	_ =	shalt  }
0x7d: {  	_ =	shalt  }
0x7e: {  	_ =	shalt  }
0x7f: {  	_ =	shalt  }
0x80: {  	_ =	shalt  }
0x81: {  	_ =	shalt  }
0x82: {  	_ =	shalt  }
0x83: {  	_ =	shalt  }
0x84: {  	_ =	shalt  }
0x85: {  	_ =	shalt  }
0x86: {  	_ =	shalt  }
0x87: {  	_ =	shalt  }
.Lfunc_end0:
.L_simem_size_0:
called_computation_lowered:
.L_overlay_start_0:
0x88: {  	s2 =	sld [smem:$0x3FD9]  }
0x89: {  	s3 =	sld [smem:$0x3FFE];
	_ =	sdelay $0x1  }
0x8a: {  	s1 =	srdreg.scid  }
0x8b: {  	s0 =	sand.u32 $0x1, s1  }
0x8c: {  	s16 =	sshll.u32 s0, $0xA;
	s2 =	sadd.s32 s3, s2  }
0x8d: {  	s2 =	sadd.s32 s2, s16  }
0x8e: {  	[smem:$0x3FC5] =	sst s2  }
0x8f: {  	_ = 	snop  }
0x90: {  	(tm) =	ssettm $0x1  }
0x91: {  	s17 =	sld [smem:$0x3FFB];
	_ =	sdelay $0x3  }
0x92: {  	_ =	strace s17  }
0x93: {  	s2 =	sld [smem:$0x3FFC];
	_ =	sdelay $0x3  }
0x94: {  	_ =	strace s2  }
0x95: {  	s2 =	sld [smem:$0x3FFD];
	_ =	sdelay $0x3  }
0x96: {  	_ =	strace s2  }
0x97: {  	_ =	strace $0x8FFFFFFF  }
0x98: {  	s18 =	sld [smem:$0x3FDB];
	_ =	sdelay $0x1  }
0x99: {  	s19 =	simm.s32 $_scs_section_size  }
0x9a: {  	s4 =	simm.s32 $_size__tile_overlayer_lowered;
	s5 =	simm.s32 $_tile_overlayer_lowered  }
0x9b: {  	s22 =	simm.s32 $0x1BFF;
	s21 =	sshll.u32 s5, $0x1;
	s2 =	sadd.s32 s19, s18  }
0x9c: {  	s6 =	simm.s32 $0x0;
	s20 =	sshll.u32 s4, $0x1;
	s4 =	sadd.s32 s21, s2  }
0x9d: {  	[timem:s6], [sflag:s22] =	dma.local [hbm:s4], s20  }
0x9e: {  	_ =	swait.ge [sflag:s22], s20  }
0x9f: {  	s3 =	ssub.s32 $0x0, s20;
	[sflag:s22] =	ssyncset.done $0x0  }
0xa0: {  	[sflag:s22] =	ssyncadd.s32 s3;
	_ =	sdelay $0x1  }
0xa1: {  	s23 =	simm.s32 $0x1B8B  }
0xa2: {  	_ =	swait.ge [sflag:s23], $0x1  }
0xa3: {  	[sflag:s23] =	ssyncset.done $0x0  }
0xa4: {  	s25 =	simm.s32 $0x1B8E;
	s24 =	sld [smem:$0x3FFE];
	[sflag:s23] =	ssyncadd.s32 $0xFFFFFFFF  }
0xa5: {  	s26 =	simm.s32 $execute0_lowered;
	[smem:$0x3FD2] =	sst s25  }
0xa6: {  	s4 =	sshll.u32 s26, $0x1;
	_ =	strace $0x80000046;
	[dreg:$0x1] =	wrdreg $0xFFFFFFFF  }
0xa7: {  	s28 =	simm.s32 $_size_execute0_lowered;
	s2 =	sadd.s32 s2, s4;
	[dreg:$0x0] =	wrdreg $0x0  }
0xa8: {  	s4 =	sshll.u32 s28, $0x1;
	[dreg:$0x2] =	wrdreg s2  }
0xa9: {  	[dreg:$0x3] =	wrdreg s4  }
0xaa: {  	[dreg:$0x4] =	wrdreg $0xC0  }
0xab: {  	_ =	task [dreg:s6], $0x5FFFF  }
0xac: {  	[dreg:$0x1] =	wrdreg $0xFFFFFFFF  }
0xad: {  	[dreg:$0x0] =	wrdreg $0x60  }
0xae: {  	[dreg:$0x2] =	wrdreg s24  }
0xaf: {  	[dreg:$0x3] =	wrdreg $0x9  }
0xb0: {  	_ =	task.clear_ibuf [dreg:s6], $0x4FFFF;
	_ =	strace $0x90000046  }
0xb1: {  	s29 =	simm.s32 $0x9;
	_ =	strace $0x80000048  }
0xb2: {  	_ =	swait.ge [sflag:s29], $0x1  }
0xb3: {  	[sflag:s29] =	ssyncadd.s32 $0xFFFFFFFF  }
0xb4: {  	_ =	strace $0x90000048  }
0xb5: {  	_ =	sfence  }
0xb6: {  	s30 =	sld [smem:$0x0];
	_ =	sdelay $0x2  }
0xb7: {  	s31 =	sshll.u32 s1, $0xD;
	s1 =	sshrl.u32 s1, $0x2  }
0xb8: {  	s3 =	sand.u32 $0x4000, s31;
	s1 =	sadd.s32 s1, s30  }
0xb9: {  	s0 =	sor.u32 s3, s0;
	s1 =	sshll.u32 s1, $0x11  }
0xba: {  	s0 =	sor.u32 s1, s0  }
0xbb: {  	s0 =	sadd.s32 $0x8F2B, s0  }
0xbc: {  	[sflag:s0] =	ssyncadd.remote.s32 $0x1  }
0xbd: {  	_ =	sfence.sel $0xFFFF  }
0xbe: {  	[dreg:$0x0] =	wrdreg $0xFFFFFFFF;
	(pc) =	sbr.abs _section_cstart, $3  }
0xbf: {  	[dreg:$0x1] =	wrdreg $0xFFFFFFFF  }
0xc0: {  	_ =	task.clear_ibuf [dreg:s6], $0x2FFFF;
	_ =	strace $0x9FFFFFFF  }
0xc1: {  	(tm) =	ssettm $0x7FFFFFFF  }
tec
execute0_lowered:
.L_overlay_start_1:
0x0: {  	(tag) =	ssettag $0x1  }
0x1: {  	s1 =	srdreg.scid  }
0x2: {  	s0 =	stileid.u32;
	s2 =	rddreg [dreg:$0x0];
	s6 =	simm.s32 $0x1  }
0x3: {  	s9 =	simm.s32 $0x1;
	s10 =	simm.s32 $0x3;
	s1 =	sshll.u32 s1, $0x6  }
0x4: {  	s13 =	simm.s32 $0x0;
	s3 =	sshll.u32 s0, $0x7;
	s4 =	sand.u32 $0x40, s1  }
0x5: {  	s12 =	simm.s32 $0x0;
	s5 =	sadd.s32 $0x10200, s2;
	s3 =	sor.u32 s3, s4  }
0x6: {  	s1 =	rddreg [dreg:$0x1];
	_ =	strace $0x80000047;
	s8 =	ssub.s32 $0x1000, s3  }
.Ltmp0:
0x7: {  	s4 =	sadd.s32 $0x10000, s2;
	s7 =	sand.u32 $0x7C0, s8;
	(pc) =	sbr.rel .LBB2_1-.Ltmp0, $4  }
0x8: {  	[sflag:s6] =	ssyncpa.u1 $0x0;
	s11 =	smov.u32 s3;
	p0 =	sne.s32 s7, $0x0  }
0x9: {  	s8 =	sshrl.u32 s8, $0xB;
	s7 =	simm.s32 $0x2;
	s9 =	simm.s32 @!p0 $0x0  }
0xa: {  	[sflag:s7] =	ssyncpa.u1 $0x0;
	p0 =	por $0x0, $0x0;
	s8 =	sadd.s32 s9, s8  }
0xb: {  	vm0 =	vmmov $0xffff;
	[sflag:s10] =	ssyncpa.u1 $0x0;
	s10 =	simm.s32 $0x0;
	s9 =	sadd.s32 $0x1, s8  }
.LBB2_4:
0xc: {  	v5 =	vshrl.u32 v1, $0xC;
	v6 =	vshll.u32 v1, $0x7  }
0xd: {  	vm1 =	veq.s32 v1, $0x80000000;
	v58 =	vand.u32 $0x7F, v5;
	v59 =	vand.u32 $0x7FF80, v6  }
0xe: {  	v1 =	vsel vm1, $0xFFFFFFFF, v58;
	v5 =	vsel vm1, $0xFFFFFF80, v59  }
0xf: {  	v3 =	vor.u32 v4, v3;
	v60 =	vand.u32 $0xFFFFFC00, v5;
	v61 =	vand.u32 $0xFFFFFC00, v1  }
0x10: {  	v2 =	vor.u32 v2, v3;
	v63 =	vand.u32 $0x380, v5;
	v62 =	vadd.s32 v61, v60  }
0x11: {  	v1 =	vand.u32 $0x7F, v1;
	v3 =	vor.u32 v63, v62  }
0x12: {  	v1 =	vor.u32 v1, v3  }
0x13: {  	[tilespmem:s15], [sflag:$0x1] =	stream.indirect_vreg.gather [hbm4b:s2+s10], $0x1, v0, vm0, $0x4038;
	[tilespmem:$0x100] =	vst v63  }
0x14: {  	(ifvalue) =	ssetifvalue $0x7FFFFFFF  }
0x15: {  	[tilespmem:s16], [sflag:$0x1] =	stream.indirect_vreg.gather [hbm4b:s2+s10], $0x1, v2, vm0, $0x4038;
	[tilespmem:$0x100] =	vst v63  }
0x16: {  	s29 =	sadd.s32 $0x10, s16;
	(ifvalue) =	ssetifvalue $0x7FFFFFFF  }
0x17: {  	[tilespmem:s29], [sflag:$0x1] =	stream.indirect_vreg.gather [hbm4b:s2+s10], $0x1, v1, vm0, $0x4038;
	[tilespmem:$0x100] =	vst v63  }
0x18: {  	_ =	swait.ge [sflag:s6], $0x40  }
0x19: {  	s30 =	sshrl.u32 s13, $0x3;
	[sflag:s6] =	ssyncset.done $0x0  }
0x1a: {  	s31 =	sand.u32 $0x7, s13;
	s15 =	sadd.s32 s5, s30;
	[sflag:s6] =	ssyncadd.s32 $0xFFFFFFC0  }
0x1b: {  	[hbm4b:s15+s31] =	stream.linear.scatter [tilespmem:s14], [sflag:$0x3], $0x40, $0x38;
	[tilespmem:$0x100] =	vst v63  }
.LBB2_5:
0x1c: {  	s15 =	sadd.s32 $0x800, s11  }
0x1d: {  	p2 =	sgt.s32 s15, $0xFFF  }
0x1e: {  	s15 =	smov.u32 @p2 s3;
	p2 =	sne.s32 s12, s9  }
.Ltmp1:
0x1f: {  	p1 =	slt.u32 s12, $0x2;
	(pc) =	sbr.rel @!p2 .LBB2_6-.Ltmp1, $4  }
0x20: {  	s14 =	simm.s32 @!p1 $0x3  }
0x21: {  	s16 =	sadd.s32 $0x1, s12;
	_ =	swait.ge @!p1 [sflag:s14], $0x40  }
0x22: {  	s13 =	smov.u32 s11;
	p0 =	por !p0, !p0;
	[sflag:s14] =	ssyncset.done @!p1 $0x0  }
0x23: {  	s12 =	smov.u32 s16;
	s11 =	smov.u32 s15;
	[sflag:s14] =	ssyncadd.s32 @!p1 $0xFFFFFFC0  }
.LBB2_1:
0x24: {  	p1 =	sge.u32 s12, s8  }
0x25: {  	s14 =	sxor.u32 @!p1 $0xFFFFFFFF, s12  }
0x26: {  	s31 =	sadd.s32 $0xFFFFFFFF, s12;
	s15 =	sshrl.u32 @!p1 s11, $0x3;
	s14 =	sshll.u32 @!p1 s14, $0x6  }
0x27: {  	s16 =	sand.u32 @!p1 $0x7, s11;
	s15 =	sadd.s32 @!p1 s4, s15;
	s14 =	sand.u32 @!p1 $0x40, s14  }
0x28: {  	[tilespmem:s14], [sflag:$0x2] =	stream.linear.gather @!p1 [hbm4b:s15+s16], $0x40, $0x38;
	[tilespmem:$0x100] =	vst v63  }
0x29: {  	p1 =	sge.u32 s31, s8  }
.Ltmp2:
0x2a: {  	_ = 	snop;
	(pc) =	sbr.rel @p1 .LBB2_5-.Ltmp2, $1  }
0x2b: {  	_ =	sdelay $0x3  }
0x2c: {  	s14 =	simm.s32 $0x1  }
0x2d: {  	_ =	swait.ge [sflag:s7], $0x40;
	s14 =	simm.s32 @!p0 $0x0  }
0x2e: {  	[sflag:s7] =	ssyncset.done $0x0;
	s14 =	sshll.u32 s14, $0x6  }
0x2f: {  	[sflag:s7] =	ssyncadd.s32 $0xFFFFFFC0;
	(ifvalue) =	ssetifvalue $0x7FFFFFFF;
	v0 =	vld.msk [tilespmem:s14+$0x0 ss:$0x1], $0xffff;
	_ =	sdelay $0x4  }
0x30: {  	s15 =	sadd.s32 $0x10, s14;
	v2 =	vshrl.u32 v0, $0xC;
	v3 =	vshll.u32 v0, $0x7  }
0x31: {  	v1 =	vld.msk [tilespmem:s15+$0x0 ss:$0x1], $0xffff;
	vm1 =	veq.s32 v0, $0x80000000;
	v0 =	vand.u32 $0x7F, v2;
	v2 =	vand.u32 $0x7FF80, v3  }
0x32: {  	v0 =	vsel vm1, $0xFFFFFFFF, v0;
	v2 =	vsel vm1, $0xFFFFFF80, v2  }
0x33: {  	v3 =	vand.u32 $0xFFFFFC00, v2;
	v4 =	vand.u32 $0xFFFFFC00, v0  }
0x34: {  	v2 =	vand.u32 $0x380, v2;
	v3 =	vadd.s32 v4, v3  }
0x35: {  	v0 =	vand.u32 $0x7F, v0;
	v2 =	vor.u32 v2, v3  }
0x36: {  	v5 =	vshll.u32 v1, $0x7;
	v4 =	vshrl.u32 v1, $0xC;
	v0 =	vor.u32 v0, v2  }
0x37: {  	s16 =	sshll.u32 s12, $0x6;
	vm1 =	veq.s32 v1, $0x80000000;
	v1 =	vand.u32 $0x7F, v4;
	v4 =	vand.u32 $0x7FF80, v5  }
0x38: {  	s16 =	sand.u32 $0x40, s16;
	s18 =	sadd.s32 $0x10, s15;
	v3 =	vsel vm1, $0xFFFFFFFF, v1;
	v4 =	vsel vm1, $0xFFFFFF80, v4  }
0x39: {  	s17 =	simm.s32 $0x20;
	s15 =	sor.u32 $0x80, s14;
	s14 =	sor.u32 $0x80, s16;
	v1 =	vld.msk [tilespmem:s18+$0x0 ss:$0x1], $0xffff;
	v5 =	vand.u32 $0xFFFFFC00, v4;
	v6 =	vand.u32 $0xFFFFFC00, v3  }
0x3a: {  	s16 =	sadd.s32 $0x10, s15;
	s18 =	sadd.s32 $0x10, s18;
	(ifvalue) =	ssetifvalue $0x7FFFFFFF;
	v2 =	vand.u32 $0x7F, v3;
	v4 =	vand.u32 $0x380, v4;
	v3 =	vadd.s32 v6, v5  }
.LBB2_3:
0x3b: {  	[tilespmem:s15], [sflag:$0x1] =	stream.indirect_vreg.gather [hbm4b:s2+s10], $0x1, v0, vm0, $0x4038;
	[tilespmem:$0x100] =	vst v63  }
0x3c: {  	s17 =	sadd.s32 $0x10, s17  }
0x3d: {  	v3 =	vor.u32 v4, v3;
	p1 =	slt.u32 s17, $0x30  }
.Ltmp3:
0x3e: {  	v4 =	vshrl.u32 v1, $0xC;
	v5 =	vshll.u32 v1, $0x7;
	s15 =	smov.u32 s16;
	v0 =	vor.u32 v2, v3;
	v2 =	vmovc v1;
	v1 =	vld.msk [tilespmem:s18+$0x0 ss:$0x1], $0xffff;
	(pc) =	sbr.rel @p1 .LBB2_3-.Ltmp3, $4  }
0x3f: {  	v3 =	vand.u32 $0x7FF80, v5;
	vm1 =	veq.s32 v2, $0x80000000;
	v2 =	vand.u32 $0x7F, v4  }
0x40: {  	v4 =	vsel vm1, $0xFFFFFFFF, v2;
	v5 =	vsel vm1, $0xFFFFFF80, v3  }
0x41: {  	v2 =	vand.u32 $0x7F, v4;
	v3 =	vand.u32 $0xFFFFFC00, v5;
	v4 =	vand.u32 $0xFFFFFC00, v4  }
0x42: {  	s16 =	sadd.s32 $0x10, s16;
	s18 =	sadd.s32 $0x10, s18;
	v3 =	vadd.s32 v4, v3;
	v4 =	vand.u32 $0x380, v5;
	(ifvalue) =	ssetifvalue $0x7FFFFFFF  }
.Ltmp4:
0x43: {  	_ = 	snop;
	(pc) =	sbr.rel .LBB2_4-.Ltmp4, $1  }
0x44: {  	_ =	sdelay $0x3  }
.LBB2_6:
0x45: {  	_ =	sfence.sel $0x180000  }
0x46: {  	s2 =	simm.s32 $0x2;
	[bflag:$0x0] =	sbarrier.arrive $0xFFFF  }
0x47: {  	s30 =	simm.s32 $0x3;
	[sflag:s2] =	ssyncpa.u1 $0x1  }
0x48: {  	s31 =	simm.s32 $0x1;
	[sflag:s30] =	ssyncpa.u1 $0x1  }
0x49: {  	[sflag:s31] =	ssyncpa.u1 $0x1  }
0x4a: {  	p0 =	sne.s32 s0, $0x0;
	_ =	strace $0x90000047  }
0x4b: {  	s0 =	sadd.s32 @!p0 $0x100000, s1;
	[bflag:$0x2] =	sbarrier.arrive $0xFFFF  }
0x4c: {  	[sflag:s0] =	ssyncadd.tile.s32 @!p0 $0x1;
	_ =	shalt  }
.Lfunc_end2:
_tile_overlayer_lowered:
.L_overlay_start_2:
0x4d: {  	(tag) =	ssettag $0x2  }
0x4e: {  	s0 =	rddreg [dreg:$0x0];
	s2 =	stileid.u32  }
0x4f: {  	s1 =	rddreg [dreg:$0x1];
	p0 =	sne.s32 s2, $0x0  }
0x50: {  	s3 =	rddreg [dreg:$0x2];
	[bflag:$0x3] =	sbarrier.arrive $0xFFFF;
	s2 =	simm.s32 @!p0 $0x1C01  }
0x51: {  	[timem:s3], [sflag:s2] =	dma.local @!p0 [hbm:s0], s1  }
0x52: {  	s0 =	simm.s32 @!p0 $0x1  }
0x53: {  	_ =	swait.ge @!p0 [sflag:s0], s1  }
0x54: {  	s1 =	ssub.s32 @!p0 $0x0, s1;
	[sflag:s0] =	ssyncset.done @!p0 $0x0  }
0x55: {  	[sflag:s0] =	ssyncadd.s32 @!p0 s1  }
0x56: {  	[bflag:$0x3] =	sbarrier.arrive $0xFFFF  }
0x57: {  	_ =	shalt  }

// kernel: kernel.4.cloned.1.call-start
scs
__scs_entry_jumppad:
0x0: {  	(pc) =	sbr.rel $0x88, $3  }
0x1: {  	(tag) =	ssettag $0x0;
	lr =	simm.s32 $0x1  }
0x2: {  	[smem:$0x3F9E] =	sst lr;
	_ =	strace $0xD0000000  }
0x3: {  	_ = 	snop  }
0x4: {  	_ = 	snop  }
0x5: {  	_ = 	snop  }
0x6: {  	_ = 	snop  }
0x7: {  	_ = 	snop  }
__scs_overlays_trampoline_lowered:
0x8: {  	[smem:$0x3FAD] =	sst s0  }
0x9: {  	[smem:$0x3FAE] =	sst s1  }
0xa: {  	[smem:$0x3FAF] =	sst s2  }
0xb: {  	[smem:$0x3FB0] =	sst s3  }
0xc: {  	[smem:$0x3FB1] =	sst s4  }
0xd: {  	[smem:$0x3FB2] =	sst s5  }
0xe: {  	[smem:$0x3FB3] =	sst s6  }
0xf: {  	[smem:$0x3FB4] =	sst s7  }
0x10: {  	[smem:$0x3FB5] =	sst s8  }
0x11: {  	[smem:$0x3FB6] =	sst s9;
	s0 =	simm.s32 @!p0 $0x0  }
0x12: {  	s1 =	sld [smem:$0x3F9C];
	s0 =	simm.s32 @p0 $0x1  }
0x13: {  	[smem:$0x3FB7] =	sst s0;
	s0 =	simm.s32 @!p1 $0x0  }
0x14: {  	s2 =	sld [smem:$0x3F9B];
	s0 =	simm.s32 @p1 $0x1  }
0x15: {  	[smem:$0x3FB8] =	sst s0;
	s0 =	simm.s32 @!p2 $0x0  }
0x16: {  	s3 =	sld [smem:$0x3FDB];
	s0 =	simm.s32 @p2 $0x1  }
0x17: {  	s4 =	simm.s32 $0x1BF5;
	[smem:$0x3FBA] =	sst s0  }
0x18: {  	s0 =	sld [smem:$0x3F9D];
	_ =	swait.ge [sflag:s4], $0x0  }
0x19: {  	s7 =	sld [smem:$0x3F9E]  }
0x1a: {  	s8 =	sadd.s32 $0xFFFFE003, lr  }
0x1b: {  	s9 =	sadd.s32 $0xFFFFFEF7, lr;
	s5 =	simm.s32 $0xFFFFFFFF;
	p2 =	slt.u32 s8, $0xFFFFF086  }
0x1c: {  	p1 =	slt.u32 s9, $0xF7A;
	s5 =	simm.s32 @!p2 $0x0  }
0x1d: {  	s5 =	simm.s32 @p1 $0x1;
	p0 =	seq.s32 s7, s2  }
0x1e: {  	s7 =	smul.u32 @!p0 $0xF7A, s2;
	p2 =	seq.s32 @!p0 s5, $0x0  }
0x1f: {  	s9 =	smul.u32 $0xF7A, s1;
	s8 =	simm.s32 @!p0 $0x1BF5;
	p2 =	por !p2, p0  }
0x20: {  	[sflag:s8] =	ssyncset.s32 @!p0 $0xFFFFF086;
	s6 =	sadd.s32 @!p0 s3, s7;
	s7 =	simm.s32 @!p0 $0x108  }
0x21: {  	s3 =	sadd.s32 s3, s9;
	s6 =	sadd.s32 @!p0 $0x88, s6;
	s7 =	simm.s32 @p2 $0x1082  }
0x22: {  	[simem:s7], [sflag:s8] =	dma.local @!p0 [hbm:s6], $0xF7A  }
0x23: {  	s9 =	sor.u32 $0xD0000000, s2;
	s6 =	simm.s32 $0x108;
	_ =	swait.ge @!p0 [sflag:s8], $0x0  }
0x24: {  	s3 =	sadd.s32 $0x88, s3;
	s6 =	simm.s32 @!p1 $0x1082;
	[sflag:s4] =	ssyncset.s32 $0xFFFFF086  }
0x25: {  	[simem:s6], [sflag:s4] =	dma.local [hbm:s3], $0xF7A  }
0x26: {  	[smem:$0x3F9E] =	sst s1;
	(tag) =	ssettag s2;
	_ =	strace s9  }
0x27: {  	s1 =	sld [smem:$0x3FAE]  }
0x28: {  	s2 =	sld [smem:$0x3FAF]  }
0x29: {  	s4 =	sld [smem:$0x3FB1]  }
0x2a: {  	p0 =	seq.s32 s5, $0x0;
	s5 =	sld [smem:$0x3FB2]  }
0x2b: {  	s6 =	sld [smem:$0x3FB3]  }
0x2c: {  	s7 =	sld [smem:$0x3FB4]  }
0x2d: {  	s3 =	simm.s32 $0x108;
	s8 =	sld [smem:$0x3FB5]  }
0x2e: {  	s3 =	simm.s32 @!p0 $0x1082;
	s9 =	sld [smem:$0x3FB6]  }
0x2f: {  	lr =	sadd.s32 s0, s3;
	s0 =	sld [smem:$0x3FAD]  }
0x30: {  	s3 =	sld [smem:$0x3FB0]  }
0x31: {  	[smem:$0x3FB9] =	sst s10  }
0x32: {  	s10 =	sld [smem:$0x3FB7];
	_ =	sdelay $0x3  }
0x33: {  	p0 =	seq.s32 s10, $0x1;
	s10 =	sld [smem:$0x3FB9];
	_ =	sdelay $0x3  }
0x34: {  	[smem:$0x3FB9] =	sst s10  }
0x35: {  	s10 =	sld [smem:$0x3FB8];
	_ =	sdelay $0x3  }
0x36: {  	p1 =	seq.s32 s10, $0x1;
	s10 =	sld [smem:$0x3FB9];
	_ =	sdelay $0x3  }
0x37: {  	[smem:$0x3FB9] =	sst s10  }
0x38: {  	s10 =	sld [smem:$0x3FBA]  }
0x39: {  	_ = 	snop;
	(pc) =	sbr.ind lr, $3  }
0x3a: {  	_ = 	snop  }
0x3b: {  	_ = 	snop  }
0x3c: {  	p2 =	seq.s32 s10, $0x1;
	s10 =	sld [smem:$0x3FB9]  }
0x3d: {  	_ =	shalt  }
0x3e: {  	_ =	shalt  }
0x3f: {  	_ =	shalt  }
0x40: {  	_ =	shalt  }
0x41: {  	_ =	shalt  }
0x42: {  	_ =	shalt  }
0x43: {  	_ =	shalt  }
0x44: {  	_ =	shalt  }
0x45: {  	_ =	shalt  }
0x46: {  	_ =	shalt  }
0x47: {  	_ =	shalt  }
0x48: {  	_ =	shalt  }
0x49: {  	_ =	shalt  }
0x4a: {  	_ =	shalt  }
0x4b: {  	_ =	shalt  }
0x4c: {  	_ =	shalt  }
0x4d: {  	_ =	shalt  }
0x4e: {  	_ =	shalt  }
0x4f: {  	_ =	shalt  }
0x50: {  	_ =	shalt  }
0x51: {  	_ =	shalt  }
0x52: {  	_ =	shalt  }
0x53: {  	_ =	shalt  }
0x54: {  	_ =	shalt  }
0x55: {  	_ =	shalt  }
0x56: {  	_ =	shalt  }
0x57: {  	_ =	shalt  }
0x58: {  	_ =	shalt  }
0x59: {  	_ =	shalt  }
0x5a: {  	_ =	shalt  }
0x5b: {  	_ =	shalt  }
0x5c: {  	_ =	shalt  }
0x5d: {  	_ =	shalt  }
0x5e: {  	_ =	shalt  }
0x5f: {  	_ =	shalt  }
0x60: {  	_ =	shalt  }
0x61: {  	_ =	shalt  }
0x62: {  	_ =	shalt  }
0x63: {  	_ =	shalt  }
0x64: {  	_ =	shalt  }
0x65: {  	_ =	shalt  }
0x66: {  	_ =	shalt  }
0x67: {  	_ =	shalt  }
0x68: {  	_ =	shalt  }
0x69: {  	_ =	shalt  }
0x6a: {  	_ =	shalt  }
0x6b: {  	_ =	shalt  }
0x6c: {  	_ =	shalt  }
0x6d: {  	_ =	shalt  }
0x6e: {  	_ =	shalt  }
0x6f: {  	_ =	shalt  }
0x70: {  	_ =	shalt  }
0x71: {  	_ =	shalt  }
0x72: {  	_ =	shalt  }
0x73: {  	_ =	shalt  }
0x74: {  	_ =	shalt  }
0x75: {  	_ =	shalt  }
0x76: {  	_ =	shalt  }
0x77: {  	_ =	shalt  }
0x78: {  	_ =	shalt  }
0x79: {  	_ =	shalt  }
0x7a: {  	_ =	shalt  }
0x7b: {  	_ =	shalt  }
0x7c: {  	_ =	shalt  }
0x7d: {  	_ =	shalt  }
0x7e: {  	_ =	shalt  }
0x7f: {  	_ =	shalt  }
0x80: {  	_ =	shalt  }
0x81: {  	_ =	shalt  }
0x82: {  	_ =	shalt  }
0x83: {  	_ =	shalt  }
0x84: {  	_ =	shalt  }
0x85: {  	_ =	shalt  }
0x86: {  	_ =	shalt  }
0x87: {  	_ =	shalt  }
.Lfunc_end0:
.L_simem_size_0:
called_computation.1_lowered:
.L_overlay_start_0:
0x88: {  	s2 =	sld [smem:$0x3FD9]  }
0x89: {  	s3 =	sld [smem:$0x3FFE];
	_ =	sdelay $0x1  }
0x8a: {  	s1 =	srdreg.scid  }
0x8b: {  	s0 =	sand.u32 $0x1, s1  }
0x8c: {  	s17 =	sshll.u32 s0, $0xA;
	s2 =	sadd.s32 s3, s2  }
0x8d: {  	s2 =	sadd.s32 s2, s17  }
0x8e: {  	[smem:$0x3FC5] =	sst s2  }
0x8f: {  	_ = 	snop  }
0x90: {  	s2 =	sld [smem:$0x3FC9];
	(tm) =	ssettm $0x1  }
0x91: {  	s18 =	sld [smem:$0x3FFB];
	_ =	sdelay $0x3  }
0x92: {  	_ =	strace s18  }
0x93: {  	s3 =	sld [smem:$0x3FFC];
	_ =	sdelay $0x3  }
0x94: {  	_ =	strace s3  }
0x95: {  	s3 =	sld [smem:$0x3FFD];
	_ =	sdelay $0x3  }
0x96: {  	_ =	strace s3  }
0x97: {  	_ =	strace $0x8FFFFFFF  }
0x98: {  	s19 =	sld [smem:$0x3FDB];
	_ =	sdelay $0x1  }
0x99: {  	s4 =	simm.s32 $_scs_section_size  }
0x9a: {  	s5 =	simm.s32 $_size__tile_overlayer_lowered;
	s6 =	simm.s32 $_tile_overlayer_lowered  }
0x9b: {  	s22 =	simm.s32 $0x1BFF;
	s21 =	sshll.u32 s6, $0x1;
	s3 =	sadd.s32 s4, s19  }
0x9c: {  	s7 =	simm.s32 $0x0;
	s20 =	sshll.u32 s5, $0x1;
	s5 =	sadd.s32 s21, s3  }
0x9d: {  	[timem:s7], [sflag:s22] =	dma.local [hbm:s5], s20  }
0x9e: {  	_ =	swait.ge [sflag:s22], s20  }
0x9f: {  	s4 =	ssub.s32 $0x0, s20;
	[sflag:s22] =	ssyncset.done $0x0  }
0xa0: {  	[sflag:s22] =	ssyncadd.s32 s4;
	_ =	sdelay $0x1  }
0xa1: {  	s23 =	simm.s32 $0x1B8B  }
0xa2: {  	_ =	swait.ge [sflag:s23], $0x1  }
0xa3: {  	[sflag:s23] =	ssyncset.done $0x0  }
0xa4: {  	s25 =	simm.s32 $0x1B8E;
	s24 =	sld [smem:$0x3FFE];
	[sflag:s23] =	ssyncadd.s32 $0xFFFFFFFF  }
0xa5: {  	s26 =	simm.s32 $execute0_lowered;
	[smem:$0x3FD2] =	sst s25  }
0xa6: {  	s5 =	sshll.u32 s26, $0x1;
	_ =	strace $0x80000049;
	[dreg:$0x1] =	wrdreg $0xFFFFFFFF  }
0xa7: {  	s28 =	simm.s32 $_size_execute0_lowered;
	s3 =	sadd.s32 s3, s5;
	[dreg:$0x0] =	wrdreg $0x0  }
0xa8: {  	s5 =	sshll.u32 s28, $0x1;
	[dreg:$0x2] =	wrdreg s3  }
0xa9: {  	[dreg:$0x3] =	wrdreg s5  }
0xaa: {  	[dreg:$0x4] =	wrdreg $0xC0  }
0xab: {  	_ =	task [dreg:s7], $0x5FFFF  }
0xac: {  	[dreg:$0x1] =	wrdreg $0xFFFFFFFF  }
0xad: {  	[dreg:$0x0] =	wrdreg $0x60  }
0xae: {  	[dreg:$0x2] =	wrdreg s2  }
0xaf: {  	[dreg:$0x3] =	wrdreg s24  }
0xb0: {  	[dreg:$0x4] =	wrdreg $0x9  }
0xb1: {  	_ =	task.clear_ibuf [dreg:s7], $0x5FFFF;
	_ =	strace $0x90000049  }
0xb2: {  	s29 =	simm.s32 $0x9;
	_ =	strace $0x8000004B  }
0xb3: {  	_ =	swait.ge [sflag:s29], $0x1  }
0xb4: {  	[sflag:s29] =	ssyncadd.s32 $0xFFFFFFFF  }
0xb5: {  	_ =	strace $0x9000004B  }
0xb6: {  	_ =	sfence  }
0xb7: {  	s30 =	sld [smem:$0x0];
	_ =	sdelay $0x2  }
0xb8: {  	s31 =	sshll.u32 s1, $0xD;
	s1 =	sshrl.u32 s1, $0x2  }
0xb9: {  	s3 =	sand.u32 $0x4000, s31;
	s1 =	sadd.s32 s1, s30  }
0xba: {  	s0 =	sor.u32 s3, s0;
	s1 =	sshll.u32 s1, $0x11  }
0xbb: {  	s0 =	sor.u32 s1, s0  }
0xbc: {  	s0 =	sadd.s32 $0x8F2B, s0  }
0xbd: {  	[sflag:s0] =	ssyncadd.remote.s32 $0x1  }
0xbe: {  	_ =	sfence.sel $0xFFFF  }
0xbf: {  	[dreg:$0x0] =	wrdreg $0xFFFFFFFF;
	(pc) =	sbr.abs _section_cstart, $3  }
0xc0: {  	[dreg:$0x1] =	wrdreg $0xFFFFFFFF  }
0xc1: {  	_ =	task.clear_ibuf [dreg:s7], $0x2FFFF;
	_ =	strace $0x9FFFFFFF  }
0xc2: {  	(tm) =	ssettm $0x7FFFFFFF  }
0xc3: {  	_ =	shalt  }
tec
execute0_lowered:
.L_overlay_start_1:
0x0: {  	(tag) =	ssettag $0x1  }
0x1: {  	s1 =	srdreg.scid;
	s3 =	rddreg [dreg:$0x0]  }
0x2: {  	s0 =	stileid.u32;
	s4 =	rddreg [dreg:$0x1]  }
0x3: {  	s2 =	simm.s32 $0x0;
	s18 =	simm.s32 $0x880;
	s19 =	simm.s32 $0x1080  }
0x4: {  	s20 =	simm.s32 $0x1880;
	s21 =	simm.s32 $0x2080;
	s23 =	simm.s32 $0x2880  }
0x5: {  	s24 =	simm.s32 $0x3080;
	s25 =	simm.s32 $0x3880;
	s26 =	simm.s32 $0x4080  }
0x6: {  	s7 =	simm.s32 $0x80;
	s9 =	simm.s32 $0x5080;
	s10 =	simm.s32 $0x5880  }
0x7: {  	s11 =	simm.s32 $0x6080;
	s12 =	simm.s32 $0x6880;
	[smem:$0x7FF] =	sst s2  }
0x8: {  	s13 =	simm.s32 $0x7080;
	_ =	strace $0x8000004A;
	[dreg:$0x5] =	wrdreg s18  }
0x9: {  	s14 =	simm.s32 $0x7880;
	s15 =	simm.s32 $0x8080;
	[dreg:$0x6] =	wrdreg s19  }
0xa: {  	s16 =	simm.s32 $0x8880;
	s17 =	simm.s32 $0x9080;
	[dreg:$0x7] =	wrdreg s20  }
0xb: {  	s28 =	simm.s32 $0xE080;
	s29 =	simm.s32 $0xE880;
	[dreg:$0x8] =	wrdreg s21  }
0xc: {  	s30 =	simm.s32 $0xF080;
	s31 =	simm.s32 $0xF880;
	[dreg:$0x9] =	wrdreg s23  }
0xd: {  	s1 =	sand.u32 $0x1, s1;
	s5 =	sshll.u32 s0, $0x8;
	[dreg:$0xa] =	wrdreg s24  }
0xe: {  	s6 =	sshll.u32 s1, $0x7;
	s1 =	ssub.s32 $0x2, s1;
	[dreg:$0xb] =	wrdreg s25  }
0xf: {  	[dreg:$0xc] =	wrdreg s26;
	s18 =	simm.s32 $0x9880;
	s19 =	simm.s32 $0xA080  }
0x10: {  	s20 =	simm.s32 $0xA880;
	s21 =	simm.s32 $0xB080;
	s23 =	simm.s32 $0xC080  }
0x11: {  	s24 =	simm.s32 $0xC880;
	s25 =	simm.s32 $0xD080;
	s5 =	sor.u32 s6, s5  }
0x12: {  	s26 =	simm.s32 $0xD880;
	s22 =	sshrl.u32 s1, $0x1;
	s6 =	sshrl.u32 s5, $0x3  }
0x13: {  	s5 =	sshll.u32 s5, $0x6;
	s1 =	ssub.s32 s1, s22;
	s6 =	sadd.s32 s4, s6  }
0x14: {  	v2 =	vlaneseq.u32;
	s22 =	simm.s32 $0xB880;
	s3 =	sadd.s32 s3, s5;
	[dreg:$0x3] =	wrdreg s6  }
0x15: {  	vm0 =	vmmov $0xffff;
	v1 =	vshrl.u32 v2, $0x3;
	s5 =	smax.u32 s1, $0x1;
	s1 =	simm.s32 $0x1;
	[dreg:$0x4] =	wrdreg s3  }
0x16: {  	v0 =	vand.u32 $0x7, v2;
	v2 =	vor.u32 $0x8, v2;
	v1 =	vmul.u32 $0x8, v1;
	s3 =	sadd.s32 $0x200, s4;
	s4 =	sadd.s32 $0x300, s4;
	s6 =	simm.s32 $0x2  }
.LBB2_1:
0x17: {  	s0 =	rddreg [dreg:$0x3]  }
0x18: {  	[tilespmem:s2], [sflag:$0x2] =	stream.linear.gather [hbm4b:s0+s2], $0x80, $0x38;
	[tilespmem:$0x10080] =	vst v63  }
0x19: {  	_ =	swait.ge [sflag:s6], $0x80  }
0x1a: {  	[sflag:s6] =	ssyncset.done $0x0  }
0x1b: {  	s8 =	rddreg [dreg:$0x4];
	[sflag:s6] =	ssyncadd.s32 $0xFFFFFF80  }
0x1c: {  	[tilespmem:s7], [sflag:$0x2] =	stream.linear.gather [hbm4b:s8+s2], $0x10000, $0x38;
	[tilespmem:$0x10080] =	vst v63  }
0x1d: {  	_ =	swait.ge [sflag:s6], $0x10000  }
0x1e: {  	[sflag:s6] =	ssyncset.done $0x0  }
0x1f: {  	[sflag:s6] =	ssyncadd.s32 $0xFFFF0000  }
0x20: {  	v3 =	vld [tilespmem:$0x0];
	_ =	sdelay $0x4  }
0x21: {  	v4 =	vshll.u32 v3, $0x2  }
0x22: {  	v3 =	vand.u32 $0x7, v3;
	v4 =	vand.u32 $0xFFFFFFE0, v4  }
0x23: {  	v3 =	vor.u32 v3, v4  }
0x24: {  	v4 =	vperm.xlane v3, v0;
	_ =	sdelay $0x1  }
0x25: {  	v4 =	vadd.s32 v1, v4;
	_ =	sdelay $0x1  }
0x26: {  	v3 =	vperm.xlane v3, v2;
	_ =	sdelay $0x1  }
0x27: {  	v3 =	vadd.s32 v1, v3  }
0x28: {  	[hbm4b:s3+s2] =	stream.indirect_vreg.scatter [tilespmem:s7], [sflag:$0x1], $0x80, v4, vm0, $0xb8;
	[tilespmem:$0x10080] =	vst v63  }
0x29: {  	s0 =	rddreg [dreg:$0x5]  }
0x2a: {  	[hbm4b:s4+s2] =	stream.indirect_vreg.scatter [tilespmem:s0], [sflag:$0x1], $0x80, v4, vm0, $0xb8;
	[tilespmem:$0x10080] =	vst v63  }
0x2b: {  	s8 =	rddreg [dreg:$0x6]  }
0x2c: {  	[hbm4b:s3+s2] =	stream.indirect_vreg.scatter [tilespmem:s8], [sflag:$0x1], $0x80, v3, vm0, $0xb8;
	[tilespmem:$0x10080] =	vst v63  }
0x2d: {  	s0 =	rddreg [dreg:$0x7]  }
0x2e: {  	[hbm4b:s4+s2] =	stream.indirect_vreg.scatter [tilespmem:s0], [sflag:$0x1], $0x80, v3, vm0, $0xb8;
	[tilespmem:$0x10080] =	vst v63  }
0x2f: {  	v3 =	vld [tilespmem:$0x10];
	_ =	sdelay $0x4  }
0x30: {  	v57 =	vshll.u32 v3, $0x2  }
0x31: {  	v3 =	vand.u32 $0x7, v3;
	v4 =	vand.u32 $0xFFFFFFE0, v57  }
0x32: {  	v3 =	vor.u32 v3, v4  }
0x33: {  	v4 =	vperm.xlane v3, v0;
	_ =	sdelay $0x1  }
0x34: {  	v4 =	vadd.s32 v1, v4;
	_ =	sdelay $0x1  }
0x35: {  	v3 =	vperm.xlane v3, v2;
	_ =	sdelay $0x1  }
0x36: {  	s0 =	rddreg [dreg:$0x8];
	v3 =	vadd.s32 v1, v3  }
0x37: {  	[hbm4b:s3+s2] =	stream.indirect_vreg.scatter [tilespmem:s0], [sflag:$0x1], $0x80, v4, vm0, $0xb8;
	[tilespmem:$0x10080] =	vst v63  }
0x38: {  	s8 =	rddreg [dreg:$0x9]  }
0x39: {  	[hbm4b:s4+s2] =	stream.indirect_vreg.scatter [tilespmem:s8], [sflag:$0x1], $0x80, v4, vm0, $0xb8;
	[tilespmem:$0x10080] =	vst v63  }
0x3a: {  	s0 =	rddreg [dreg:$0xa]  }
0x3b: {  	[hbm4b:s3+s2] =	stream.indirect_vreg.scatter [tilespmem:s0], [sflag:$0x1], $0x80, v3, vm0, $0xb8;
	[tilespmem:$0x10080] =	vst v63  }
0x3c: {  	s8 =	rddreg [dreg:$0xb]  }
0x3d: {  	[hbm4b:s4+s2] =	stream.indirect_vreg.scatter [tilespmem:s8], [sflag:$0x1], $0x80, v3, vm0, $0xb8;
	[tilespmem:$0x10080] =	vst v63  }
0x3e: {  	v3 =	vld [tilespmem:$0x20];
	_ =	sdelay $0x4  }
0x3f: {  	v58 =	vshll.u32 v3, $0x2  }
0x40: {  	v3 =	vand.u32 $0x7, v3;
	v4 =	vand.u32 $0xFFFFFFE0, v58  }
0x41: {  	v3 =	vor.u32 v3, v4  }
0x42: {  	v4 =	vperm.xlane v3, v0;
	_ =	sdelay $0x1  }
0x43: {  	v4 =	vadd.s32 v1, v4;
	_ =	sdelay $0x1  }
0x44: {  	v3 =	vperm.xlane v3, v2;
	_ =	sdelay $0x1  }
0x45: {  	s8 =	rddreg [dreg:$0xc];
	v3 =	vadd.s32 v1, v3  }
0x46: {  	[hbm4b:s3+s2] =	stream.indirect_vreg.scatter [tilespmem:s8], [sflag:$0x1], $0x80, v4, vm0, $0xb8;
	[tilespmem:$0x10080] =	vst v63  }
0x47: {  	s8 =	simm.s32 $0x4880  }
0x48: {  	[hbm4b:s4+s2] =	stream.indirect_vreg.scatter [tilespmem:s8], [sflag:$0x1], $0x80, v4, vm0, $0xb8;
	[tilespmem:$0x10080] =	vst v63  }
0x49: {  	_ = 	snop  }
0x4a: {  	[hbm4b:s3+s2] =	stream.indirect_vreg.scatter [tilespmem:s9], [sflag:$0x1], $0x80, v3, vm0, $0xb8;
	[tilespmem:$0x10080] =	vst v63  }
0x4b: {  	_ = 	snop  }
0x4c: {  	[hbm4b:s4+s2] =	stream.indirect_vreg.scatter [tilespmem:s10], [sflag:$0x1], $0x80, v3, vm0, $0xb8;
	[tilespmem:$0x10080] =	vst v63  }
0x4d: {  	v3 =	vld [tilespmem:$0x30];
	_ =	sdelay $0x4  }
0x4e: {  	v59 =	vshll.u32 v3, $0x2  }
0x4f: {  	v3 =	vand.u32 $0x7, v3;
	v4 =	vand.u32 $0xFFFFFFE0, v59  }
0x50: {  	v3 =	vor.u32 v3, v4  }
0x51: {  	v4 =	vperm.xlane v3, v0;
	_ =	sdelay $0x1  }
0x52: {  	v4 =	vadd.s32 v1, v4;
	_ =	sdelay $0x1  }
0x53: {  	v3 =	vperm.xlane v3, v2;
	_ =	sdelay $0x1  }
0x54: {  	v3 =	vadd.s32 v1, v3  }
0x55: {  	[hbm4b:s3+s2] =	stream.indirect_vreg.scatter [tilespmem:s11], [sflag:$0x1], $0x80, v4, vm0, $0xb8;
	[tilespmem:$0x10080] =	vst v63  }
0x56: {  	_ = 	snop  }
0x57: {  	[hbm4b:s4+s2] =	stream.indirect_vreg.scatter [tilespmem:s12], [sflag:$0x1], $0x80, v4, vm0, $0xb8;
	[tilespmem:$0x10080] =	vst v63  }
0x58: {  	_ = 	snop  }
0x59: {  	[hbm4b:s3+s2] =	stream.indirect_vreg.scatter [tilespmem:s13], [sflag:$0x1], $0x80, v3, vm0, $0xb8;
	[tilespmem:$0x10080] =	vst v63  }
0x5a: {  	_ = 	snop  }
0x5b: {  	[hbm4b:s4+s2] =	stream.indirect_vreg.scatter [tilespmem:s14], [sflag:$0x1], $0x80, v3, vm0, $0xb8;
	[tilespmem:$0x10080] =	vst v63  }
0x5c: {  	v3 =	vld [tilespmem:$0x40];
	_ =	sdelay $0x4  }
0x5d: {  	v60 =	vshll.u32 v3, $0x2  }
0x5e: {  	v3 =	vand.u32 $0x7, v3;
	v4 =	vand.u32 $0xFFFFFFE0, v60  }
0x5f: {  	v3 =	vor.u32 v3, v4  }
0x60: {  	v4 =	vperm.xlane v3, v0;
	_ =	sdelay $0x1  }
0x61: {  	v4 =	vadd.s32 v1, v4;
	_ =	sdelay $0x1  }
0x62: {  	v3 =	vperm.xlane v3, v2;
	_ =	sdelay $0x1  }
0x63: {  	v3 =	vadd.s32 v1, v3  }
0x64: {  	[hbm4b:s3+s2] =	stream.indirect_vreg.scatter [tilespmem:s15], [sflag:$0x1], $0x80, v4, vm0, $0xb8;
	[tilespmem:$0x10080] =	vst v63  }
0x65: {  	_ = 	snop  }
0x66: {  	[hbm4b:s4+s2] =	stream.indirect_vreg.scatter [tilespmem:s16], [sflag:$0x1], $0x80, v4, vm0, $0xb8;
	[tilespmem:$0x10080] =	vst v63  }
0x67: {  	_ = 	snop  }
0x68: {  	[hbm4b:s3+s2] =	stream.indirect_vreg.scatter [tilespmem:s17], [sflag:$0x1], $0x80, v3, vm0, $0xb8;
	[tilespmem:$0x10080] =	vst v63  }
0x69: {  	_ = 	snop  }
0x6a: {  	[hbm4b:s4+s2] =	stream.indirect_vreg.scatter [tilespmem:s18], [sflag:$0x1], $0x80, v3, vm0, $0xb8;
	[tilespmem:$0x10080] =	vst v63  }
0x6b: {  	v3 =	vld [tilespmem:$0x50];
	_ =	sdelay $0x4  }
0x6c: {  	v61 =	vshll.u32 v3, $0x2  }
0x6d: {  	v3 =	vand.u32 $0x7, v3;
	v4 =	vand.u32 $0xFFFFFFE0, v61  }
0x6e: {  	v3 =	vor.u32 v3, v4  }
0x6f: {  	v4 =	vperm.xlane v3, v0;
	_ =	sdelay $0x1  }
0x70: {  	v4 =	vadd.s32 v1, v4;
	_ =	sdelay $0x1  }
0x71: {  	v3 =	vperm.xlane v3, v2;
	_ =	sdelay $0x1  }
0x72: {  	v3 =	vadd.s32 v1, v3  }
0x73: {  	[hbm4b:s3+s2] =	stream.indirect_vreg.scatter [tilespmem:s19], [sflag:$0x1], $0x80, v4, vm0, $0xb8;
	[tilespmem:$0x10080] =	vst v63  }
0x74: {  	_ = 	snop  }
0x75: {  	[hbm4b:s4+s2] =	stream.indirect_vreg.scatter [tilespmem:s20], [sflag:$0x1], $0x80, v4, vm0, $0xb8;
	[tilespmem:$0x10080] =	vst v63  }
0x76: {  	_ = 	snop  }
0x77: {  	[hbm4b:s3+s2] =	stream.indirect_vreg.scatter [tilespmem:s21], [sflag:$0x1], $0x80, v3, vm0, $0xb8;
	[tilespmem:$0x10080] =	vst v63  }
0x78: {  	_ = 	snop  }
0x79: {  	[hbm4b:s4+s2] =	stream.indirect_vreg.scatter [tilespmem:s22], [sflag:$0x1], $0x80, v3, vm0, $0xb8;
	[tilespmem:$0x10080] =	vst v63  }
0x7a: {  	v3 =	vld [tilespmem:$0x60];
	_ =	sdelay $0x4  }
0x7b: {  	v62 =	vshll.u32 v3, $0x2  }
0x7c: {  	v3 =	vand.u32 $0x7, v3;
	v4 =	vand.u32 $0xFFFFFFE0, v62  }
0x7d: {  	v3 =	vor.u32 v3, v4  }
0x7e: {  	v4 =	vperm.xlane v3, v0;
	_ =	sdelay $0x1  }
0x7f: {  	v4 =	vadd.s32 v1, v4;
	_ =	sdelay $0x1  }
0x80: {  	v3 =	vperm.xlane v3, v2;
	_ =	sdelay $0x1  }
0x81: {  	v3 =	vadd.s32 v1, v3  }
0x82: {  	[hbm4b:s3+s2] =	stream.indirect_vreg.scatter [tilespmem:s23], [sflag:$0x1], $0x80, v4, vm0, $0xb8;
	[tilespmem:$0x10080] =	vst v63  }
0x83: {  	_ = 	snop  }
0x84: {  	[hbm4b:s4+s2] =	stream.indirect_vreg.scatter [tilespmem:s24], [sflag:$0x1], $0x80, v4, vm0, $0xb8;
	[tilespmem:$0x10080] =	vst v63  }
0x85: {  	_ = 	snop  }
0x86: {  	[hbm4b:s3+s2] =	stream.indirect_vreg.scatter [tilespmem:s25], [sflag:$0x1], $0x80, v3, vm0, $0xb8;
	[tilespmem:$0x10080] =	vst v63  }
0x87: {  	_ = 	snop  }
0x88: {  	[hbm4b:s4+s2] =	stream.indirect_vreg.scatter [tilespmem:s26], [sflag:$0x1], $0x80, v3, vm0, $0xb8;
	[tilespmem:$0x10080] =	vst v63  }
0x89: {  	v3 =	vld [tilespmem:$0x70];
	_ =	sdelay $0x4  }
0x8a: {  	v63 =	vshll.u32 v3, $0x2  }
0x8b: {  	v3 =	vand.u32 $0x7, v3;
	v4 =	vand.u32 $0xFFFFFFE0, v63  }
0x8c: {  	v3 =	vor.u32 v3, v4  }
0x8d: {  	v4 =	vperm.xlane v3, v0;
	_ =	sdelay $0x1  }
0x8e: {  	v4 =	vadd.s32 v1, v4;
	_ =	sdelay $0x1  }
0x8f: {  	v3 =	vperm.xlane v3, v2;
	_ =	sdelay $0x1  }
0x90: {  	v3 =	vadd.s32 v1, v3  }
0x91: {  	[hbm4b:s3+s2] =	stream.indirect_vreg.scatter [tilespmem:s28], [sflag:$0x1], $0x80, v4, vm0, $0xb8;
	[tilespmem:$0x10080] =	vst v63  }
0x92: {  	_ = 	snop  }
0x93: {  	[hbm4b:s4+s2] =	stream.indirect_vreg.scatter [tilespmem:s29], [sflag:$0x1], $0x80, v4, vm0, $0xb8;
	[tilespmem:$0x10080] =	vst v63  }
0x94: {  	p0 =	sne.s32 s5, $0x1  }
0x95: {  	[hbm4b:s3+s2] =	stream.indirect_vreg.scatter [tilespmem:s30], [sflag:$0x1], $0x80, v3, vm0, $0xb8;
	[tilespmem:$0x10080] =	vst v63  }
.Ltmp0:
0x96: {  	_ = 	snop;
	(pc) =	sbr.rel @p0 .LBB2_1-.Ltmp0, $4  }
0x97: {  	[hbm4b:s4+s2] =	stream.indirect_vreg.scatter [tilespmem:s31], [sflag:$0x1], $0x80, v3, vm0, $0xb8;
	[tilespmem:$0x10080] =	vst v63  }
0x98: {  	_ =	swait.ge [sflag:s1], $0x10000  }
0x99: {  	[sflag:s1] =	ssyncset.done $0x0  }
0x9a: {  	s5 =	sadd.s32 $0xFFFFFFFF, s5;
	[sflag:s1] =	ssyncadd.s32 $0xFFFF0000  }
0x9b: {  	_ =	sfence.sel $0x180000  }
0x9c: {  	[bflag:$0x0] =	sbarrier.arrive $0xFFFF  }
0x9d: {  	_ =	strace $0x9000004A  }
0x9e: {  	s0 =	stileid.u32;
	[bflag:$0x2] =	sbarrier.arrive $0xFFFF  }
0x9f: {  	p0 =	sne.s32 s0, $0x0;
	s0 =	rddreg [dreg:$0x2]  }
0xa0: {  	s0 =	sadd.s32 @!p0 $0x100000, s0  }
0xa1: {  	[sflag:s0] =	ssyncadd.tile.s32 @!p0 $0x1;
	_ =	shalt  }
.Lfunc_end2:
_tile_overlayer_lowered:
.L_overlay_start_2:
0xa2: {  	(tag) =	ssettag $0x2  }
0xa3: {  	s0 =	rddreg [dreg:$0x0];
	s2 =	stileid.u32  }
0xa4: {  	s1 =	rddreg [dreg:$0x1];
	p0 =	sne.s32 s2, $0x0  }
0xa5: {  	s3 =	rddreg [dreg:$0x2];
	[bflag:$0x3] =	sbarrier.arrive $0xFFFF;
	s2 =	simm.s32 @!p0 $0x1C02  }
0xa6: {  	[timem:s3], [sflag:s2] =	dma.local @!p0 [hbm:s0], s1  }
0xa7: {  	s0 =	simm.s32 @!p0 $0x2  }
0xa8: {  	_ =	swait.ge @!p0 [sflag:s0], s1  }
0xa9: {  	s1 =	ssub.s32 @!p0 $0x0, s1;
	[sflag:s0] =	ssyncset.done @!p0 $0x0  }
0xaa: {  	[sflag:s0] =	ssyncadd.s32 @!p0 s1  }
0xab: {  	[bflag:$0x3] =	sbarrier.arrive $0xFFFF  }
0xac: {  	_ =	shalt  }

</sc_bundles>
